<compile_context>
chip_gen: v7x
topology: tpu7x:2x2x1
jax: 0.10.2.dev20260603
libtpu: 0.0.44.dev20260713+nightly
codegen_flags: <defaults>
</compile_context>

<pallas_src>
import functools

import jax
import jax.numpy as jnp
from jax import lax
from jax.experimental import pallas as pl
from jax.experimental.pallas import tpu as pltpu
from jax.experimental.pallas import tpu_sc as plsc

_NE = 8192
_D = 32
_N = 8192
_TN = 1024
_TK = 1024
_COMMIT = 0.25


def _combine_exact(vL, iL, vR, iR):
    keep = vL <= vR
    return jnp.where(keep, vL, vR), jnp.where(keep, iL, iR)


def _combine_rounded(vL, iL, vR, iR):
    vLr = vL.astype(jnp.bfloat16).astype(jnp.float32)
    keep = vLr <= vR
    return jnp.where(keep, vL, vR), jnp.where(keep, iL, iR)


def _argmin_body(flat_ref, w_ref, idx_ref):
    flat = flat_ref[...]
    rowsq = jnp.sum(flat * flat, axis=1, keepdims=True)
    cols = lax.broadcasted_iota(jnp.int32, (_TN, _TK), 1)
    vals = []
    idxs = []
    for k in range(_NE // _TK):
        w = w_ref[pl.ds(k * _TK, _TK), :]
        wsq = jnp.sum(w * w, axis=1)[None, :]
        dot = lax.dot_general(flat, w, (((1,), (1,)), ((), ())),
                              preferred_element_type=jnp.float32)
        dist = (rowsq + wsq) - 2.0 * dot
        cmin = jnp.min(dist, axis=1, keepdims=True)
        carg = jnp.min(jnp.where(dist == cmin, cols, jnp.int32(2**30)),
                       axis=1, keepdims=True) + k * _TK
        vals.append(cmin)
        idxs.append(carg)
    v01, i01 = _combine_exact(vals[0], idxs[0], vals[1], idxs[1])
    v23, i23 = _combine_exact(vals[2], idxs[2], vals[3], idxs[3])
    v45, i45 = _combine_exact(vals[4], idxs[4], vals[5], idxs[5])
    v67, i67 = _combine_exact(vals[6], idxs[6], vals[7], idxs[7])
    vE, iE = _combine_rounded(v01, i01, v23, i23)
    vF, iF = _combine_rounded(v45, i45, v67, i67)
    _, iT = _combine_rounded(vE, iE, vF, iF)
    idx_ref[...] = iT


def _run_argmin(flat, W):
    return pl.pallas_call(
        _argmin_body,
        grid=(_N // _TN,),
        in_specs=[
            pl.BlockSpec((_TN, _D), lambda i: (i, 0)),
            pl.BlockSpec((_NE, _D), lambda i: (0, 0)),
        ],
        out_specs=pl.BlockSpec((_TN, 1), lambda i: (i, 0)),
        out_shape=jax.ShapeDtypeStruct((_N, 1), jnp.int32),
    )(flat, W)


_SC_NW = 32
_SC_ROWS = _N // _SC_NW


@functools.cache
def _make_sc_gather():
    @functools.partial(
        pl.kernel,
        mesh=plsc.VectorSubcoreMesh(core_axis_name="c", subcore_axis_name="s"),
        out_type=jax.ShapeDtypeStruct((_N, _D), jnp.float32),
        scratch_types=[
            pltpu.VMEM((_SC_ROWS,), jnp.int32),
            pltpu.VMEM((_SC_ROWS, _D), jnp.float32),
            pltpu.SemaphoreType.DMA,
        ],
        compiler_params=pltpu.CompilerParams(use_tc_tiling_on_sc=False),
    )
    def _sc_gather(w_hbm, idx_hbm, out_hbm, idx_v, rows_v, sem):
        wid = lax.axis_index("s") * 2 + lax.axis_index("c")
        base = wid * _SC_ROWS
        pltpu.sync_copy(idx_hbm.at[pl.ds(base, _SC_ROWS)], idx_v)
        pltpu.async_copy(w_hbm.at[idx_v], rows_v, sem).wait()
        pltpu.sync_copy(rows_v, out_hbm.at[pl.ds(base, _SC_ROWS)])

    return _sc_gather


def _st_body(flat_ref, q_ref, out_ref, loss_ref):
    f = flat_ref[...]
    q = q_ref[...]
    d = q - f
    out_ref[...] = f + d
    loss_ref[...] = (jnp.sum(d * d) * (_COMMIT / (_N * _D))).reshape(1, 1)


def _run_st(flat, q):
    return pl.pallas_call(
        _st_body,
        in_specs=[
            pl.BlockSpec((_N, _D), lambda: (0, 0)),
            pl.BlockSpec((_N, _D), lambda: (0, 0)),
        ],
        out_specs=[
            pl.BlockSpec((_N, _D), lambda: (0, 0)),
            pl.BlockSpec((1, 1), lambda: (0, 0)),
        ],
        out_shape=[
            jax.ShapeDtypeStruct((_N, _D), jnp.float32),
            jax.ShapeDtypeStruct((1, 1), jnp.float32),
        ],
    )(flat, q)


def kernel(x, W):
    b, c, h, w = x.shape
    flat = jnp.transpose(x, (0, 2, 3, 1)).reshape(-1, c)
    idx2d = _run_argmin(flat, W)
    idx = idx2d.reshape(-1)
    q = _make_sc_gather()(W, idx)
    st, loss = _run_st(flat, q)
    st = st.reshape(b, h, w, c)
    e_loss = loss.reshape(())
    return (e_loss, jnp.transpose(st, (0, 3, 1, 2)), idx.reshape(b, h * w))

# --- scband reference (transcript-rebuilt; emitter-appended) ---
"""Pipeline reference for scband-emavector-quantizer-47571057771094 (READ-ONLY COPY).

The authoritative reference and input builder live on the scoring server;
editing this copy changes nothing except your own understanding.
"""

import jax, jax.numpy as jnp
import numpy as np

NUM_EMBEDDINGS = 8192
EMBEDDING_DIM = 32
COMMITMENT_COST = 0.25

def setup_inputs(seed: int = 0):
    key = jax.random.key(seed)
    k1, k2 = jax.random.split(key)
    x = jax.random.normal(k1, (8, 32, 32, 32), dtype=jnp.float32)
    W = jax.random.uniform(k2, (NUM_EMBEDDINGS, EMBEDDING_DIM), dtype=jnp.float32,
                           minval=-1.0 / NUM_EMBEDDINGS, maxval=1.0 / NUM_EMBEDDINGS)
    return {"x": x, "W": W}

def reference(x, W):
    b, c, h, w = x.shape
    inputs = jnp.transpose(x, (0, 2, 3, 1))  # b h w c
    flat = inputs.reshape(-1, c)  # (b*h*w, c)
    distances = (jnp.sum(flat ** 2, axis=1, keepdims=True)
                 + jnp.sum(W ** 2, axis=1)
                 - 2.0 * jnp.matmul(flat, W.T))
    encoding_indices = jnp.argmin(distances, axis=1)
    # one-hot @ W is equivalent to a gather of codebook rows
    quantized = jnp.take(W, encoding_indices, axis=0).reshape(inputs.shape)
    e_loss = COMMITMENT_COST * jnp.mean((jax.lax.stop_gradient(quantized) - inputs) ** 2)
    quantized_st = inputs + jax.lax.stop_gradient(quantized - inputs)
    idx_out = encoding_indices.reshape(b, h * w)
    return (e_loss, jnp.transpose(quantized_st, (0, 3, 1, 2)), idx_out)

if __name__ == "__main__":
    import jax
    _d = setup_inputs()
    print(jax.jit(kernel)(*tuple(_d.values())))

</pallas_src>

<mosaic_0001>
#map = affine_map<(d0, d1) -> (0, 0)>
#map1 = affine_map<(d0, d1) -> (0)>
module attributes {stable_mosaic.version = 14 : i64} {
  func.func @_sc_gather(%arg0: i32, %arg1: i32, %arg2: memref<8192x32xf32, #tpu.memory_space<hbm>>, %arg3: memref<8192xi32, #tpu.memory_space<hbm>>, %arg4: memref<8192x32xf32, #tpu.memory_space<hbm>>, %arg5: memref<256xi32, #tpu.memory_space<vmem>>, %arg6: memref<256x32xf32, #tpu.memory_space<vmem>>, %arg7: memref<!tpu.dma_semaphore, #tpu.memory_space<semaphore_mem>>) attributes {dimension_semantics = [#tpu.dimension_semantics<core_parallel>, #tpu.dimension_semantics<subcore_parallel>], iteration_bounds = array<i64: 2, 16>, scalar_prefetch = 0 : i64, scratch_operands = 3 : i64, tpu.core_type = #tpu.core_type<sc_vector_subcore>, window_params = [{transform_indices = #map}, {transform_indices = #map1}, {transform_indices = #map}]} {
    %mul3A = arith.constant 2 : i32
    %mul3A_0 = arith.muli %arg1, %mul3A : i32
    %add3A = arith.addi %mul3A_0, %arg0 : i32
    %mul3A_1 = arith.constant 256 : i32
    %mul3A_2 = arith.muli %add3A, %mul3A_1 : i32
    "tpu.region"() ({
      %run_scoped3A = tpu.sem_alloc : memref<!tpu.dma_semaphore, #tpu.memory_space<semaphore_mem>>
      %dma_start3A_7 = tpu.memref_slice %arg3[%mul3A_2] : memref<8192xi32, #tpu.memory_space<hbm>> -> memref<256xi32, #tpu.memory_space<hbm>>
      %dma_start3A_8 = tpu.memref_slice %arg3[%mul3A_2] : memref<8192xi32, #tpu.memory_space<hbm>> -> memref<256xi32, #tpu.memory_space<hbm>>
      tpu.enqueue_dma source(%dma_start3A_8 : memref<256xi32, #tpu.memory_space<hbm>>) target(%arg5 : memref<256xi32, #tpu.memory_space<vmem>>) target_semaphore(%run_scoped3A : memref<!tpu.dma_semaphore, #tpu.memory_space<semaphore_mem>>)
      %dma_wait3A_9 = tpu.memref_slice %arg3[%mul3A_2] : memref<8192xi32, #tpu.memory_space<hbm>> -> memref<256xi32, #tpu.memory_space<hbm>>
      %dma_wait3A_10 = tpu.memref_slice %arg3[%mul3A_2] : memref<8192xi32, #tpu.memory_space<hbm>> -> memref<256xi32, #tpu.memory_space<hbm>>
      tpu.wait_dma2 semaphore(%run_scoped3A : memref<!tpu.dma_semaphore, #tpu.memory_space<semaphore_mem>>) src(%dma_wait3A_10 : memref<256xi32, #tpu.memory_space<hbm>>) dst(%arg5 : memref<256xi32, #tpu.memory_space<vmem>>)
      tpu.yield
    }) : () -> ()
    %dma_start3A = arith.constant 0 : i32
    %dma_start3A_3 = arith.constant 0 : i32
    %dma_start3A_4 = tpu.memref_slice %arg2[%dma_start3A, %dma_start3A_3] : memref<8192x32xf32, #tpu.memory_space<hbm>> -> memref<8192x32xf32, #tpu.memory_space<hbm>>
    tpu.enqueue_indirect_dma source(%dma_start3A_4 : memref<8192x32xf32, #tpu.memory_space<hbm>>) target(%arg6 : memref<256x32xf32, #tpu.memory_space<vmem>>) offsets(%arg5 : memref<256xi32, #tpu.memory_space<vmem>>) semaphore(%arg7 : memref<!tpu.dma_semaphore, #tpu.memory_space<semaphore_mem>>)
    %dma_wait3A = arith.constant 0 : i32
    %dma_wait3A_5 = arith.constant 0 : i32
    %dma_wait3A_6 = tpu.memref_slice %arg2[%dma_wait3A, %dma_wait3A_5] : memref<8192x32xf32, #tpu.memory_space<hbm>> -> memref<8192x32xf32, #tpu.memory_space<hbm>>
    tpu.wait_indirect_dma semaphore(%arg7 : memref<!tpu.dma_semaphore, #tpu.memory_space<semaphore_mem>>) src(%dma_wait3A_6 : memref<8192x32xf32, #tpu.memory_space<hbm>>) dst(%arg6 : memref<256x32xf32, #tpu.memory_space<vmem>>)
    "tpu.region"() ({
      %run_scoped3A = tpu.sem_alloc : memref<!tpu.dma_semaphore, #tpu.memory_space<semaphore_mem>>
      %dma_start3A_7 = arith.constant 0 : i32
      %dma_start3A_8 = tpu.memref_slice %arg4[%mul3A_2, %dma_start3A_7] : memref<8192x32xf32, #tpu.memory_space<hbm>> -> memref<256x32xf32, #tpu.memory_space<hbm>>
      %dma_start3A_9 = arith.constant 0 : i32
      %dma_start3A_10 = tpu.memref_slice %arg4[%mul3A_2, %dma_start3A_9] : memref<8192x32xf32, #tpu.memory_space<hbm>> -> memref<256x32xf32, #tpu.memory_space<hbm>>
      tpu.enqueue_dma source(%arg6 : memref<256x32xf32, #tpu.memory_space<vmem>>) target(%dma_start3A_10 : memref<256x32xf32, #tpu.memory_space<hbm>>) target_semaphore(%run_scoped3A : memref<!tpu.dma_semaphore, #tpu.memory_space<semaphore_mem>>)
      %dma_wait3A_11 = arith.constant 0 : i32
      %dma_wait3A_12 = tpu.memref_slice %arg4[%mul3A_2, %dma_wait3A_11] : memref<8192x32xf32, #tpu.memory_space<hbm>> -> memref<256x32xf32, #tpu.memory_space<hbm>>
      %dma_wait3A_13 = arith.constant 0 : i32
      %dma_wait3A_14 = tpu.memref_slice %arg4[%mul3A_2, %dma_wait3A_13] : memref<8192x32xf32, #tpu.memory_space<hbm>> -> memref<256x32xf32, #tpu.memory_space<hbm>>
      tpu.wait_dma2 semaphore(%run_scoped3A : memref<!tpu.dma_semaphore, #tpu.memory_space<semaphore_mem>>) src(%arg6 : memref<256x32xf32, #tpu.memory_space<vmem>>) dst(%dma_wait3A_14 : memref<256x32xf32, #tpu.memory_space<hbm>>)
      tpu.yield
    }) : () -> ()
    return
  }
}

module attributes {stable_mosaic.version = 14 : i64} {
  func.func @_argmin_body(%arg0: i32, %arg1: memref<1024x32xf32, #tpu.memory_space<vmem>>, %arg2: memref<8192x32xf32, #tpu.memory_space<vmem>>, %arg3: memref<1024x1xi32, #tpu.memory_space<vmem>>) attributes {dimension_semantics = [#tpu.dimension_semantics<arbitrary>], iteration_bounds = array<i64: 8>, scalar_prefetch = 0 : i64, scratch_operands = 0 : i64, tpu.core_type = #tpu.core_type<tc>, window_params = [{transform_indices = @transform_0, window_bounds = array<i64: 1024, 32>}, {pipeline_mode = #tpu.pipeline_mode<synchronous>, transform_indices = @transform_1, window_bounds = array<i64: 8192, 32>}, {transform_indices = @transform_2, window_bounds = array<i64: 1024, 1>}]} {
    %get3A = arith.constant 0 : index
    %get3A_0 = arith.constant 0 : index
    %get3A_1 = vector.load %arg1[%get3A, %get3A_0] : memref<1024x32xf32, #tpu.memory_space<vmem>>, vector<1024x32xf32>
    %mul3A = arith.mulf %get3A_1, %get3A_1 : vector<1024x32xf32>
    %reduce_sum3A = arith.constant dense<0.000000e+00> : vector<1024xf32>
    %reduce_sum3A_2 = vector.multi_reduction <add>, %mul3A, %reduce_sum3A [1] : vector<1024x32xf32> to vector<1024xf32>
    %broadcast_in_dim3A = vector.shape_cast %reduce_sum3A_2 : vector<1024xf32> to vector<1024x1xf32>
    %iota3A = tpu.iota {dimensions = array<i32: 1>} : vector<1024x1024xi32>
    %get3A_3 = arith.constant 0 : index
    %get3A_4 = arith.constant 0 : index
    %get3A_5 = vector.load %arg2[%get3A_3, %get3A_4] : memref<8192x32xf32, #tpu.memory_space<vmem>>, vector<1024x32xf32>
    %mul3A_6 = arith.mulf %get3A_5, %get3A_5 : vector<1024x32xf32>
    %reduce_sum3A_7 = arith.constant dense<0.000000e+00> : vector<1024xf32>
    %reduce_sum3A_8 = vector.multi_reduction <add>, %mul3A_6, %reduce_sum3A_7 [1] : vector<1024x32xf32> to vector<1024xf32>
    %broadcast_in_dim3A_9 = vector.shape_cast %reduce_sum3A_8 : vector<1024xf32> to vector<1x1024xf32>
    %dot_general3A = arith.constant dense<0.000000e+00> : vector<1024x1024xf32>
    %dot_general3A_10 = tpu.matmul %get3A_1, %get3A_5, %dot_general3A {dimension_numbers = #tpu.dot_dimension_numbers<[1], [1], [0], [0], [0, 0, 1, 0], [], []>, transpose_lhs_hint = false} : vector<1024x32xf32>, vector<1024x32xf32>, vector<1024x1024xf32> -> vector<1024x1024xf32>
    %add3A = vector.broadcast %broadcast_in_dim3A : vector<1024x1xf32> to vector<1024x1024xf32>
    %add3A_11 = vector.broadcast %broadcast_in_dim3A_9 : vector<1x1024xf32> to vector<1024x1024xf32>
    %add3A_12 = arith.addf %add3A, %add3A_11 : vector<1024x1024xf32>
    %mul3A_13 = arith.constant 2.000000e+00 : f32
    %mul3A_14 = vector.broadcast %mul3A_13 : f32 to vector<1024x1024xf32>
    %mul3A_15 = arith.mulf %mul3A_14, %dot_general3A_10 : vector<1024x1024xf32>
    %sub3A = arith.subf %add3A_12, %mul3A_15 : vector<1024x1024xf32>
    %reduce_min3A = arith.constant dense<0x7F800000> : vector<1024xf32>
    %reduce_min3A_16 = vector.multi_reduction <minimumf>, %sub3A, %reduce_min3A [1] : vector<1024x1024xf32> to vector<1024xf32>
    %broadcast_in_dim3A_17 = vector.shape_cast %reduce_min3A_16 : vector<1024xf32> to vector<1024x1xf32>
    %eq3A = vector.broadcast %broadcast_in_dim3A_17 : vector<1024x1xf32> to vector<1024x1024xf32>
    %eq3A_18 = arith.cmpf oeq, %sub3A, %eq3A : vector<1024x1024xf32>
    %jit3A = arith.constant 1073741824 : i32
    %broadcast_in_dim3A_19 = vector.broadcast %jit3A : i32 to vector<1024x1024xi32>
    %select_n3A = arith.select %eq3A_18, %iota3A, %broadcast_in_dim3A_19 : vector<1024x1024xi1>, vector<1024x1024xi32>
    %reduce_min3A_20 = arith.constant dense<2147483647> : vector<1024xi32>
    %reduce_min3A_21 = vector.multi_reduction <minsi>, %select_n3A, %reduce_min3A_20 [1] : vector<1024x1024xi32> to vector<1024xi32>
    %broadcast_in_dim3A_22 = vector.shape_cast %reduce_min3A_21 : vector<1024xi32> to vector<1024x1xi32>
    %add3A_23 = arith.constant 0 : i32
    %add3A_24 = vector.broadcast %add3A_23 : i32 to vector<1024x1xi32>
    %add3A_25 = arith.addi %broadcast_in_dim3A_22, %add3A_24 : vector<1024x1xi32>
    %get3A_26 = arith.constant 1024 : index
    %get3A_27 = arith.constant 0 : index
    %get3A_28 = vector.load %arg2[%get3A_26, %get3A_27] : memref<8192x32xf32, #tpu.memory_space<vmem>>, vector<1024x32xf32>
    %mul3A_29 = arith.mulf %get3A_28, %get3A_28 : vector<1024x32xf32>
    %reduce_sum3A_30 = arith.constant dense<0.000000e+00> : vector<1024xf32>
    %reduce_sum3A_31 = vector.multi_reduction <add>, %mul3A_29, %reduce_sum3A_30 [1] : vector<1024x32xf32> to vector<1024xf32>
    %broadcast_in_dim3A_32 = vector.shape_cast %reduce_sum3A_31 : vector<1024xf32> to vector<1x1024xf32>
    %dot_general3A_33 = arith.constant dense<0.000000e+00> : vector<1024x1024xf32>
    %dot_general3A_34 = tpu.matmul %get3A_1, %get3A_28, %dot_general3A_33 {dimension_numbers = #tpu.dot_dimension_numbers<[1], [1], [0], [0], [0, 0, 1, 0], [], []>, transpose_lhs_hint = false} : vector<1024x32xf32>, vector<1024x32xf32>, vector<1024x1024xf32> -> vector<1024x1024xf32>
    %add3A_35 = vector.broadcast %broadcast_in_dim3A : vector<1024x1xf32> to vector<1024x1024xf32>
    %add3A_36 = vector.broadcast %broadcast_in_dim3A_32 : vector<1x1024xf32> to vector<1024x1024xf32>
    %add3A_37 = arith.addf %add3A_35, %add3A_36 : vector<1024x1024xf32>
    %mul3A_38 = arith.constant 2.000000e+00 : f32
    %mul3A_39 = vector.broadcast %mul3A_38 : f32 to vector<1024x1024xf32>
    %mul3A_40 = arith.mulf %mul3A_39, %dot_general3A_34 : vector<1024x1024xf32>
    %sub3A_41 = arith.subf %add3A_37, %mul3A_40 : vector<1024x1024xf32>
    %reduce_min3A_42 = arith.constant dense<0x7F800000> : vector<1024xf32>
    %reduce_min3A_43 = vector.multi_reduction <minimumf>, %sub3A_41, %reduce_min3A_42 [1] : vector<1024x1024xf32> to vector<1024xf32>
    %broadcast_in_dim3A_44 = vector.shape_cast %reduce_min3A_43 : vector<1024xf32> to vector<1024x1xf32>
    %eq3A_45 = vector.broadcast %broadcast_in_dim3A_44 : vector<1024x1xf32> to vector<1024x1024xf32>
    %eq3A_46 = arith.cmpf oeq, %sub3A_41, %eq3A_45 : vector<1024x1024xf32>
    %jit3A_47 = arith.constant 1073741824 : i32
    %broadcast_in_dim3A_48 = vector.broadcast %jit3A_47 : i32 to vector<1024x1024xi32>
    %select_n3A_49 = arith.select %eq3A_46, %iota3A, %broadcast_in_dim3A_48 : vector<1024x1024xi1>, vector<1024x1024xi32>
    %reduce_min3A_50 = arith.constant dense<2147483647> : vector<1024xi32>
    %reduce_min3A_51 = vector.multi_reduction <minsi>, %select_n3A_49, %reduce_min3A_50 [1] : vector<1024x1024xi32> to vector<1024xi32>
    %broadcast_in_dim3A_52 = vector.shape_cast %reduce_min3A_51 : vector<1024xi32> to vector<1024x1xi32>
    %add3A_53 = arith.constant 1024 : i32
    %add3A_54 = vector.broadcast %add3A_53 : i32 to vector<1024x1xi32>
    %add3A_55 = arith.addi %broadcast_in_dim3A_52, %add3A_54 : vector<1024x1xi32>
    %get3A_56 = arith.constant 2048 : index
    %get3A_57 = arith.constant 0 : index
    %get3A_58 = vector.load %arg2[%get3A_56, %get3A_57] : memref<8192x32xf32, #tpu.memory_space<vmem>>, vector<1024x32xf32>
    %mul3A_59 = arith.mulf %get3A_58, %get3A_58 : vector<1024x32xf32>
    %reduce_sum3A_60 = arith.constant dense<0.000000e+00> : vector<1024xf32>
    %reduce_sum3A_61 = vector.multi_reduction <add>, %mul3A_59, %reduce_sum3A_60 [1] : vector<1024x32xf32> to vector<1024xf32>
    %broadcast_in_dim3A_62 = vector.shape_cast %reduce_sum3A_61 : vector<1024xf32> to vector<1x1024xf32>
    %dot_general3A_63 = arith.constant dense<0.000000e+00> : vector<1024x1024xf32>
    %dot_general3A_64 = tpu.matmul %get3A_1, %get3A_58, %dot_general3A_63 {dimension_numbers = #tpu.dot_dimension_numbers<[1], [1], [0], [0], [0, 0, 1, 0], [], []>, transpose_lhs_hint = false} : vector<1024x32xf32>, vector<1024x32xf32>, vector<1024x1024xf32> -> vector<1024x1024xf32>
    %add3A_65 = vector.broadcast %broadcast_in_dim3A : vector<1024x1xf32> to vector<1024x1024xf32>
    %add3A_66 = vector.broadcast %broadcast_in_dim3A_62 : vector<1x1024xf32> to vector<1024x1024xf32>
    %add3A_67 = arith.addf %add3A_65, %add3A_66 : vector<1024x1024xf32>
    %mul3A_68 = arith.constant 2.000000e+00 : f32
    %mul3A_69 = vector.broadcast %mul3A_68 : f32 to vector<1024x1024xf32>
    %mul3A_70 = arith.mulf %mul3A_69, %dot_general3A_64 : vector<1024x1024xf32>
    %sub3A_71 = arith.subf %add3A_67, %mul3A_70 : vector<1024x1024xf32>
    %reduce_min3A_72 = arith.constant dense<0x7F800000> : vector<1024xf32>
    %reduce_min3A_73 = vector.multi_reduction <minimumf>, %sub3A_71, %reduce_min3A_72 [1] : vector<1024x1024xf32> to vector<1024xf32>
    %broadcast_in_dim3A_74 = vector.shape_cast %reduce_min3A_73 : vector<1024xf32> to vector<1024x1xf32>
    %eq3A_75 = vector.broadcast %broadcast_in_dim3A_74 : vector<1024x1xf32> to vector<1024x1024xf32>
    %eq3A_76 = arith.cmpf oeq, %sub3A_71, %eq3A_75 : vector<1024x1024xf32>
    %jit3A_77 = arith.constant 1073741824 : i32
    %broadcast_in_dim3A_78 = vector.broadcast %jit3A_77 : i32 to vector<1024x1024xi32>
    %select_n3A_79 = arith.select %eq3A_76, %iota3A, %broadcast_in_dim3A_78 : vector<1024x1024xi1>, vector<1024x1024xi32>
    %reduce_min3A_80 = arith.constant dense<2147483647> : vector<1024xi32>
    %reduce_min3A_81 = vector.multi_reduction <minsi>, %select_n3A_79, %reduce_min3A_80 [1] : vector<1024x1024xi32> to vector<1024xi32>
    %broadcast_in_dim3A_82 = vector.shape_cast %reduce_min3A_81 : vector<1024xi32> to vector<1024x1xi32>
    %add3A_83 = arith.constant 2048 : i32
    %add3A_84 = vector.broadcast %add3A_83 : i32 to vector<1024x1xi32>
    %add3A_85 = arith.addi %broadcast_in_dim3A_82, %add3A_84 : vector<1024x1xi32>
    %get3A_86 = arith.constant 3072 : index
    %get3A_87 = arith.constant 0 : index
    %get3A_88 = vector.load %arg2[%get3A_86, %get3A_87] : memref<8192x32xf32, #tpu.memory_space<vmem>>, vector<1024x32xf32>
    %mul3A_89 = arith.mulf %get3A_88, %get3A_88 : vector<1024x32xf32>
    %reduce_sum3A_90 = arith.constant dense<0.000000e+00> : vector<1024xf32>
    %reduce_sum3A_91 = vector.multi_reduction <add>, %mul3A_89, %reduce_sum3A_90 [1] : vector<1024x32xf32> to vector<1024xf32>
    %broadcast_in_dim3A_92 = vector.shape_cast %reduce_sum3A_91 : vector<1024xf32> to vector<1x1024xf32>
    %dot_general3A_93 = arith.constant dense<0.000000e+00> : vector<1024x1024xf32>
    %dot_general3A_94 = tpu.matmul %get3A_1, %get3A_88, %dot_general3A_93 {dimension_numbers = #tpu.dot_dimension_numbers<[1], [1], [0], [0], [0, 0, 1, 0], [], []>, transpose_lhs_hint = false} : vector<1024x32xf32>, vector<1024x32xf32>, vector<1024x1024xf32> -> vector<1024x1024xf32>
    %add3A_95 = vector.broadcast %broadcast_in_dim3A : vector<1024x1xf32> to vector<1024x1024xf32>
    %add3A_96 = vector.broadcast %broadcast_in_dim3A_92 : vector<1x1024xf32> to vector<1024x1024xf32>
    %add3A_97 = arith.addf %add3A_95, %add3A_96 : vector<1024x1024xf32>
    %mul3A_98 = arith.constant 2.000000e+00 : f32
    %mul3A_99 = vector.broadcast %mul3A_98 : f32 to vector<1024x1024xf32>
    %mul3A_100 = arith.mulf %mul3A_99, %dot_general3A_94 : vector<1024x1024xf32>
    %sub3A_101 = arith.subf %add3A_97, %mul3A_100 : vector<1024x1024xf32>
    %reduce_min3A_102 = arith.constant dense<0x7F800000> : vector<1024xf32>
    %reduce_min3A_103 = vector.multi_reduction <minimumf>, %sub3A_101, %reduce_min3A_102 [1] : vector<1024x1024xf32> to vector<1024xf32>
    %broadcast_in_dim3A_104 = vector.shape_cast %reduce_min3A_103 : vector<1024xf32> to vector<1024x1xf32>
    %eq3A_105 = vector.broadcast %broadcast_in_dim3A_104 : vector<1024x1xf32> to vector<1024x1024xf32>
    %eq3A_106 = arith.cmpf oeq, %sub3A_101, %eq3A_105 : vector<1024x1024xf32>
    %jit3A_107 = arith.constant 1073741824 : i32
    %broadcast_in_dim3A_108 = vector.broadcast %jit3A_107 : i32 to vector<1024x1024xi32>
    %select_n3A_109 = arith.select %eq3A_106, %iota3A, %broadcast_in_dim3A_108 : vector<1024x1024xi1>, vector<1024x1024xi32>
    %reduce_min3A_110 = arith.constant dense<2147483647> : vector<1024xi32>
    %reduce_min3A_111 = vector.multi_reduction <minsi>, %select_n3A_109, %reduce_min3A_110 [1] : vector<1024x1024xi32> to vector<1024xi32>
    %broadcast_in_dim3A_112 = vector.shape_cast %reduce_min3A_111 : vector<1024xi32> to vector<1024x1xi32>
    %add3A_113 = arith.constant 3072 : i32
    %add3A_114 = vector.broadcast %add3A_113 : i32 to vector<1024x1xi32>
    %add3A_115 = arith.addi %broadcast_in_dim3A_112, %add3A_114 : vector<1024x1xi32>
    %get3A_116 = arith.constant 4096 : index
    %get3A_117 = arith.constant 0 : index
    %get3A_118 = vector.load %arg2[%get3A_116, %get3A_117] : memref<8192x32xf32, #tpu.memory_space<vmem>>, vector<1024x32xf32>
    %mul3A_119 = arith.mulf %get3A_118, %get3A_118 : vector<1024x32xf32>
    %reduce_sum3A_120 = arith.constant dense<0.000000e+00> : vector<1024xf32>
    %reduce_sum3A_121 = vector.multi_reduction <add>, %mul3A_119, %reduce_sum3A_120 [1] : vector<1024x32xf32> to vector<1024xf32>
    %broadcast_in_dim3A_122 = vector.shape_cast %reduce_sum3A_121 : vector<1024xf32> to vector<1x1024xf32>
    %dot_general3A_123 = arith.constant dense<0.000000e+00> : vector<1024x1024xf32>
    %dot_general3A_124 = tpu.matmul %get3A_1, %get3A_118, %dot_general3A_123 {dimension_numbers = #tpu.dot_dimension_numbers<[1], [1], [0], [0], [0, 0, 1, 0], [], []>, transpose_lhs_hint = false} : vector<1024x32xf32>, vector<1024x32xf32>, vector<1024x1024xf32> -> vector<1024x1024xf32>
    %add3A_125 = vector.broadcast %broadcast_in_dim3A : vector<1024x1xf32> to vector<1024x1024xf32>
    %add3A_126 = vector.broadcast %broadcast_in_dim3A_122 : vector<1x1024xf32> to vector<1024x1024xf32>
    %add3A_127 = arith.addf %add3A_125, %add3A_126 : vector<1024x1024xf32>
    %mul3A_128 = arith.constant 2.000000e+00 : f32
    %mul3A_129 = vector.broadcast %mul3A_128 : f32 to vector<1024x1024xf32>
    %mul3A_130 = arith.mulf %mul3A_129, %dot_general3A_124 : vector<1024x1024xf32>
    %sub3A_131 = arith.subf %add3A_127, %mul3A_130 : vector<1024x1024xf32>
    %reduce_min3A_132 = arith.constant dense<0x7F800000> : vector<1024xf32>
    %reduce_min3A_133 = vector.multi_reduction <minimumf>, %sub3A_131, %reduce_min3A_132 [1] : vector<1024x1024xf32> to vector<1024xf32>
    %broadcast_in_dim3A_134 = vector.shape_cast %reduce_min3A_133 : vector<1024xf32> to vector<1024x1xf32>
    %eq3A_135 = vector.broadcast %broadcast_in_dim3A_134 : vector<1024x1xf32> to vector<1024x1024xf32>
    %eq3A_136 = arith.cmpf oeq, %sub3A_131, %eq3A_135 : vector<1024x1024xf32>
    %jit3A_137 = arith.constant 1073741824 : i32
    %broadcast_in_dim3A_138 = vector.broadcast %jit3A_137 : i32 to vector<1024x1024xi32>
    %select_n3A_139 = arith.select %eq3A_136, %iota3A, %broadcast_in_dim3A_138 : vector<1024x1024xi1>, vector<1024x1024xi32>
    %reduce_min3A_140 = arith.constant dense<2147483647> : vector<1024xi32>
    %reduce_min3A_141 = vector.multi_reduction <minsi>, %select_n3A_139, %reduce_min3A_140 [1] : vector<1024x1024xi32> to vector<1024xi32>
    %broadcast_in_dim3A_142 = vector.shape_cast %reduce_min3A_141 : vector<1024xi32> to vector<1024x1xi32>
    %add3A_143 = arith.constant 4096 : i32
    %add3A_144 = vector.broadcast %add3A_143 : i32 to vector<1024x1xi32>
    %add3A_145 = arith.addi %broadcast_in_dim3A_142, %add3A_144 : vector<1024x1xi32>
    %get3A_146 = arith.constant 5120 : index
    %get3A_147 = arith.constant 0 : index
    %get3A_148 = vector.load %arg2[%get3A_146, %get3A_147] : memref<8192x32xf32, #tpu.memory_space<vmem>>, vector<1024x32xf32>
    %mul3A_149 = arith.mulf %get3A_148, %get3A_148 : vector<1024x32xf32>
    %reduce_sum3A_150 = arith.constant dense<0.000000e+00> : vector<1024xf32>
    %reduce_sum3A_151 = vector.multi_reduction <add>, %mul3A_149, %reduce_sum3A_150 [1] : vector<1024x32xf32> to vector<1024xf32>
    %broadcast_in_dim3A_152 = vector.shape_cast %reduce_sum3A_151 : vector<1024xf32> to vector<1x1024xf32>
    %dot_general3A_153 = arith.constant dense<0.000000e+00> : vector<1024x1024xf32>
    %dot_general3A_154 = tpu.matmul %get3A_1, %get3A_148, %dot_general3A_153 {dimension_numbers = #tpu.dot_dimension_numbers<[1], [1], [0], [0], [0, 0, 1, 0], [], []>, transpose_lhs_hint = false} : vector<1024x32xf32>, vector<1024x32xf32>, vector<1024x1024xf32> -> vector<1024x1024xf32>
    %add3A_155 = vector.broadcast %broadcast_in_dim3A : vector<1024x1xf32> to vector<1024x1024xf32>
    %add3A_156 = vector.broadcast %broadcast_in_dim3A_152 : vector<1x1024xf32> to vector<1024x1024xf32>
    %add3A_157 = arith.addf %add3A_155, %add3A_156 : vector<1024x1024xf32>
    %mul3A_158 = arith.constant 2.000000e+00 : f32
    %mul3A_159 = vector.broadcast %mul3A_158 : f32 to vector<1024x1024xf32>
    %mul3A_160 = arith.mulf %mul3A_159, %dot_general3A_154 : vector<1024x1024xf32>
    %sub3A_161 = arith.subf %add3A_157, %mul3A_160 : vector<1024x1024xf32>
    %reduce_min3A_162 = arith.constant dense<0x7F800000> : vector<1024xf32>
    %reduce_min3A_163 = vector.multi_reduction <minimumf>, %sub3A_161, %reduce_min3A_162 [1] : vector<1024x1024xf32> to vector<1024xf32>
    %broadcast_in_dim3A_164 = vector.shape_cast %reduce_min3A_163 : vector<1024xf32> to vector<1024x1xf32>
    %eq3A_165 = vector.broadcast %broadcast_in_dim3A_164 : vector<1024x1xf32> to vector<1024x1024xf32>
    %eq3A_166 = arith.cmpf oeq, %sub3A_161, %eq3A_165 : vector<1024x1024xf32>
    %jit3A_167 = arith.constant 1073741824 : i32
    %broadcast_in_dim3A_168 = vector.broadcast %jit3A_167 : i32 to vector<1024x1024xi32>
    %select_n3A_169 = arith.select %eq3A_166, %iota3A, %broadcast_in_dim3A_168 : vector<1024x1024xi1>, vector<1024x1024xi32>
    %reduce_min3A_170 = arith.constant dense<2147483647> : vector<1024xi32>
    %reduce_min3A_171 = vector.multi_reduction <minsi>, %select_n3A_169, %reduce_min3A_170 [1] : vector<1024x1024xi32> to vector<1024xi32>
    %broadcast_in_dim3A_172 = vector.shape_cast %reduce_min3A_171 : vector<1024xi32> to vector<1024x1xi32>
    %add3A_173 = arith.constant 5120 : i32
    %add3A_174 = vector.broadcast %add3A_173 : i32 to vector<1024x1xi32>
    %add3A_175 = arith.addi %broadcast_in_dim3A_172, %add3A_174 : vector<1024x1xi32>
    %get3A_176 = arith.constant 6144 : index
    %get3A_177 = arith.constant 0 : index
    %get3A_178 = vector.load %arg2[%get3A_176, %get3A_177] : memref<8192x32xf32, #tpu.memory_space<vmem>>, vector<1024x32xf32>
    %mul3A_179 = arith.mulf %get3A_178, %get3A_178 : vector<1024x32xf32>
    %reduce_sum3A_180 = arith.constant dense<0.000000e+00> : vector<1024xf32>
    %reduce_sum3A_181 = vector.multi_reduction <add>, %mul3A_179, %reduce_sum3A_180 [1] : vector<1024x32xf32> to vector<1024xf32>
    %broadcast_in_dim3A_182 = vector.shape_cast %reduce_sum3A_181 : vector<1024xf32> to vector<1x1024xf32>
    %dot_general3A_183 = arith.constant dense<0.000000e+00> : vector<1024x1024xf32>
    %dot_general3A_184 = tpu.matmul %get3A_1, %get3A_178, %dot_general3A_183 {dimension_numbers = #tpu.dot_dimension_numbers<[1], [1], [0], [0], [0, 0, 1, 0], [], []>, transpose_lhs_hint = false} : vector<1024x32xf32>, vector<1024x32xf32>, vector<1024x1024xf32> -> vector<1024x1024xf32>
    %add3A_185 = vector.broadcast %broadcast_in_dim3A : vector<1024x1xf32> to vector<1024x1024xf32>
    %add3A_186 = vector.broadcast %broadcast_in_dim3A_182 : vector<1x1024xf32> to vector<1024x1024xf32>
    %add3A_187 = arith.addf %add3A_185, %add3A_186 : vector<1024x1024xf32>
    %mul3A_188 = arith.constant 2.000000e+00 : f32
    %mul3A_189 = vector.broadcast %mul3A_188 : f32 to vector<1024x1024xf32>
    %mul3A_190 = arith.mulf %mul3A_189, %dot_general3A_184 : vector<1024x1024xf32>
    %sub3A_191 = arith.subf %add3A_187, %mul3A_190 : vector<1024x1024xf32>
    %reduce_min3A_192 = arith.constant dense<0x7F800000> : vector<1024xf32>
    %reduce_min3A_193 = vector.multi_reduction <minimumf>, %sub3A_191, %reduce_min3A_192 [1] : vector<1024x1024xf32> to vector<1024xf32>
    %broadcast_in_dim3A_194 = vector.shape_cast %reduce_min3A_193 : vector<1024xf32> to vector<1024x1xf32>
    %eq3A_195 = vector.broadcast %broadcast_in_dim3A_194 : vector<1024x1xf32> to vector<1024x1024xf32>
    %eq3A_196 = arith.cmpf oeq, %sub3A_191, %eq3A_195 : vector<1024x1024xf32>
    %jit3A_197 = arith.constant 1073741824 : i32
    %broadcast_in_dim3A_198 = vector.broadcast %jit3A_197 : i32 to vector<1024x1024xi32>
    %select_n3A_199 = arith.select %eq3A_196, %iota3A, %broadcast_in_dim3A_198 : vector<1024x1024xi1>, vector<1024x1024xi32>
    %reduce_min3A_200 = arith.constant dense<2147483647> : vector<1024xi32>
    %reduce_min3A_201 = vector.multi_reduction <minsi>, %select_n3A_199, %reduce_min3A_200 [1] : vector<1024x1024xi32> to vector<1024xi32>
    %broadcast_in_dim3A_202 = vector.shape_cast %reduce_min3A_201 : vector<1024xi32> to vector<1024x1xi32>
    %add3A_203 = arith.constant 6144 : i32
    %add3A_204 = vector.broadcast %add3A_203 : i32 to vector<1024x1xi32>
    %add3A_205 = arith.addi %broadcast_in_dim3A_202, %add3A_204 : vector<1024x1xi32>
    %get3A_206 = arith.constant 7168 : index
    %get3A_207 = arith.constant 0 : index
    %get3A_208 = vector.load %arg2[%get3A_206, %get3A_207] : memref<8192x32xf32, #tpu.memory_space<vmem>>, vector<1024x32xf32>
    %mul3A_209 = arith.mulf %get3A_208, %get3A_208 : vector<1024x32xf32>
    %reduce_sum3A_210 = arith.constant dense<0.000000e+00> : vector<1024xf32>
    %reduce_sum3A_211 = vector.multi_reduction <add>, %mul3A_209, %reduce_sum3A_210 [1] : vector<1024x32xf32> to vector<1024xf32>
    %broadcast_in_dim3A_212 = vector.shape_cast %reduce_sum3A_211 : vector<1024xf32> to vector<1x1024xf32>
    %dot_general3A_213 = arith.constant dense<0.000000e+00> : vector<1024x1024xf32>
    %dot_general3A_214 = tpu.matmul %get3A_1, %get3A_208, %dot_general3A_213 {dimension_numbers = #tpu.dot_dimension_numbers<[1], [1], [0], [0], [0, 0, 1, 0], [], []>, transpose_lhs_hint = false} : vector<1024x32xf32>, vector<1024x32xf32>, vector<1024x1024xf32> -> vector<1024x1024xf32>
    %add3A_215 = vector.broadcast %broadcast_in_dim3A : vector<1024x1xf32> to vector<1024x1024xf32>
    %add3A_216 = vector.broadcast %broadcast_in_dim3A_212 : vector<1x1024xf32> to vector<1024x1024xf32>
    %add3A_217 = arith.addf %add3A_215, %add3A_216 : vector<1024x1024xf32>
    %mul3A_218 = arith.constant 2.000000e+00 : f32
    %mul3A_219 = vector.broadcast %mul3A_218 : f32 to vector<1024x1024xf32>
    %mul3A_220 = arith.mulf %mul3A_219, %dot_general3A_214 : vector<1024x1024xf32>
    %sub3A_221 = arith.subf %add3A_217, %mul3A_220 : vector<1024x1024xf32>
    %reduce_min3A_222 = arith.constant dense<0x7F800000> : vector<1024xf32>
    %reduce_min3A_223 = vector.multi_reduction <minimumf>, %sub3A_221, %reduce_min3A_222 [1] : vector<1024x1024xf32> to vector<1024xf32>
    %broadcast_in_dim3A_224 = vector.shape_cast %reduce_min3A_223 : vector<1024xf32> to vector<1024x1xf32>
    %eq3A_225 = vector.broadcast %broadcast_in_dim3A_224 : vector<1024x1xf32> to vector<1024x1024xf32>
    %eq3A_226 = arith.cmpf oeq, %sub3A_221, %eq3A_225 : vector<1024x1024xf32>
    %jit3A_227 = arith.constant 1073741824 : i32
    %broadcast_in_dim3A_228 = vector.broadcast %jit3A_227 : i32 to vector<1024x1024xi32>
    %select_n3A_229 = arith.select %eq3A_226, %iota3A, %broadcast_in_dim3A_228 : vector<1024x1024xi1>, vector<1024x1024xi32>
    %reduce_min3A_230 = arith.constant dense<2147483647> : vector<1024xi32>
    %reduce_min3A_231 = vector.multi_reduction <minsi>, %select_n3A_229, %reduce_min3A_230 [1] : vector<1024x1024xi32> to vector<1024xi32>
    %broadcast_in_dim3A_232 = vector.shape_cast %reduce_min3A_231 : vector<1024xi32> to vector<1024x1xi32>
    %add3A_233 = arith.constant 7168 : i32
    %add3A_234 = vector.broadcast %add3A_233 : i32 to vector<1024x1xi32>
    %add3A_235 = arith.addi %broadcast_in_dim3A_232, %add3A_234 : vector<1024x1xi32>
    %le3A = arith.cmpf ole, %broadcast_in_dim3A_17, %broadcast_in_dim3A_44 : vector<1024x1xf32>
    %select_n3A_236 = arith.select %le3A, %broadcast_in_dim3A_17, %broadcast_in_dim3A_44 : vector<1024x1xi1>, vector<1024x1xf32>
    %select_n3A_237 = arith.select %le3A, %add3A_25, %add3A_55 : vector<1024x1xi1>, vector<1024x1xi32>
    %le3A_238 = arith.cmpf ole, %broadcast_in_dim3A_74, %broadcast_in_dim3A_104 : vector<1024x1xf32>
    %select_n3A_239 = arith.select %le3A_238, %broadcast_in_dim3A_74, %broadcast_in_dim3A_104 : vector<1024x1xi1>, vector<1024x1xf32>
    %select_n3A_240 = arith.select %le3A_238, %add3A_85, %add3A_115 : vector<1024x1xi1>, vector<1024x1xi32>
    %le3A_241 = arith.cmpf ole, %broadcast_in_dim3A_134, %broadcast_in_dim3A_164 : vector<1024x1xf32>
    %select_n3A_242 = arith.select %le3A_241, %broadcast_in_dim3A_134, %broadcast_in_dim3A_164 : vector<1024x1xi1>, vector<1024x1xf32>
    %select_n3A_243 = arith.select %le3A_241, %add3A_145, %add3A_175 : vector<1024x1xi1>, vector<1024x1xi32>
    %le3A_244 = arith.cmpf ole, %broadcast_in_dim3A_194, %broadcast_in_dim3A_224 : vector<1024x1xf32>
    %select_n3A_245 = arith.select %le3A_244, %broadcast_in_dim3A_194, %broadcast_in_dim3A_224 : vector<1024x1xi1>, vector<1024x1xf32>
    %select_n3A_246 = arith.select %le3A_244, %add3A_205, %add3A_235 : vector<1024x1xi1>, vector<1024x1xi32>
    %convert_element_type3A = arith.truncf %select_n3A_236 : vector<1024x1xf32> to vector<1024x1xbf16>
    %convert_element_type3A_247 = arith.extf %convert_element_type3A : vector<1024x1xbf16> to vector<1024x1xf32>
    %le3A_248 = arith.cmpf ole, %convert_element_type3A_247, %select_n3A_239 : vector<1024x1xf32>
    %select_n3A_249 = arith.select %le3A_248, %select_n3A_236, %select_n3A_239 : vector<1024x1xi1>, vector<1024x1xf32>
    %select_n3A_250 = arith.select %le3A_248, %select_n3A_237, %select_n3A_240 : vector<1024x1xi1>, vector<1024x1xi32>
    %convert_element_type3A_251 = arith.truncf %select_n3A_242 : vector<1024x1xf32> to vector<1024x1xbf16>
    %convert_element_type3A_252 = arith.extf %convert_element_type3A_251 : vector<1024x1xbf16> to vector<1024x1xf32>
    %le3A_253 = arith.cmpf ole, %convert_element_type3A_252, %select_n3A_245 : vector<1024x1xf32>
    %select_n3A_254 = arith.select %le3A_253, %select_n3A_242, %select_n3A_245 : vector<1024x1xi1>, vector<1024x1xf32>
    %select_n3A_255 = arith.select %le3A_253, %select_n3A_243, %select_n3A_246 : vector<1024x1xi1>, vector<1024x1xi32>
    %convert_element_type3A_256 = arith.truncf %select_n3A_249 : vector<1024x1xf32> to vector<1024x1xbf16>
    %convert_element_type3A_257 = arith.extf %convert_element_type3A_256 : vector<1024x1xbf16> to vector<1024x1xf32>
    %le3A_258 = arith.cmpf ole, %convert_element_type3A_257, %select_n3A_254 : vector<1024x1xf32>
    %select_n3A_259 = arith.select %le3A_258, %select_n3A_250, %select_n3A_255 : vector<1024x1xi1>, vector<1024x1xi32>
    %swap3A = arith.constant 0 : index
    %swap3A_260 = arith.constant 0 : index
    %swap3A_261 = vector.load %arg3[%swap3A, %swap3A_260] : memref<1024x1xi32, #tpu.memory_space<vmem>>, vector<1024x1xi32>
    tpu.vector_store %arg3[%swap3A, %swap3A_260], %select_n3A_259 {strides = array<i32>} : memref<1024x1xi32, #tpu.memory_space<vmem>>, vector<1024x1xi32>,
    return
  }
  func.func @transform_0(%arg0: i32) -> (i32, i32) {
    %c0_i32 = arith.constant 0 : i32
    %c0_i32_0 = arith.constant 0 : i32
    return %arg0, %c0_i32 : i32, i32
  }
  func.func @transform_1(%arg0: i32) -> (i32, i32) {
    %c0_i32 = arith.constant 0 : i32
    %c0_i32_0 = arith.constant 0 : i32
    %c0_i32_1 = arith.constant 0 : i32
    return %c0_i32, %c0_i32_0 : i32, i32
  }
  func.func @transform_2(%arg0: i32) -> (i32, i32) {
    %c0_i32 = arith.constant 0 : i32
    %c0_i32_0 = arith.constant 0 : i32
    return %arg0, %c0_i32 : i32, i32
  }
}

module attributes {stable_mosaic.version = 14 : i64} {
  func.func @_st_body(%arg0: memref<8192x32xf32, #tpu.memory_space<vmem>>, %arg1: memref<8192x32xf32, #tpu.memory_space<vmem>>, %arg2: memref<8192x32xf32, #tpu.memory_space<vmem>>, %arg3: memref<1x1xf32, #tpu.memory_space<vmem>>) attributes {dimension_semantics = [], scalar_prefetch = 0 : i64, scratch_operands = 0 : i64, tpu.core_type = #tpu.core_type<tc>} {
    %get3A = arith.constant 0 : index
    %get3A_0 = arith.constant 0 : index
    %get3A_1 = vector.load %arg0[%get3A, %get3A_0] : memref<8192x32xf32, #tpu.memory_space<vmem>>, vector<8192x32xf32>
    %get3A_2 = arith.constant 0 : index
    %get3A_3 = arith.constant 0 : index
    %get3A_4 = vector.load %arg1[%get3A_2, %get3A_3] : memref<8192x32xf32, #tpu.memory_space<vmem>>, vector<8192x32xf32>
    %sub3A = arith.subf %get3A_4, %get3A_1 : vector<8192x32xf32>
    %add3A = arith.addf %get3A_1, %sub3A : vector<8192x32xf32>
    %swap3A = arith.constant 0 : index
    %swap3A_5 = arith.constant 0 : index
    %swap3A_6 = vector.load %arg2[%swap3A, %swap3A_5] : memref<8192x32xf32, #tpu.memory_space<vmem>>, vector<8192x32xf32>
    tpu.vector_store %arg2[%swap3A, %swap3A_5], %add3A {strides = array<i32>} : memref<8192x32xf32, #tpu.memory_space<vmem>>, vector<8192x32xf32>,
    %mul3A = arith.mulf %sub3A, %sub3A : vector<8192x32xf32>
    %reduce_sum3A = vector.shape_cast %mul3A : vector<8192x32xf32> to vector<1x8192x32xf32>
    %reduce_sum3A_7 = arith.constant dense<0.000000e+00> : vector<1xf32>
    %reduce_sum3A_8 = vector.multi_reduction <add>, %reduce_sum3A, %reduce_sum3A_7 [1, 2] : vector<1x8192x32xf32> to vector<1xf32>
    %reduce_sum3A_9 = vector.shape_cast %reduce_sum3A_8 : vector<1xf32> to vector<1x1x1xf32>
    %reduce_sum3A_10 = vector.extract %reduce_sum3A_9[0, 0, 0] : f32 from vector<1x1x1xf32>
    %mul3A_11 = arith.constant 9.53674316E-7 : f32
    %mul3A_12 = arith.mulf %reduce_sum3A_10, %mul3A_11 : f32
    %reshape3A = vector.broadcast %mul3A_12 : f32 to vector<1x1xf32>
    %swap3A_13 = arith.constant 0 : index
    %swap3A_14 = arith.constant 0 : index
    %swap3A_15 = vector.load %arg3[%swap3A_13, %swap3A_14] : memref<1x1xf32, #tpu.memory_space<vmem>>, vector<1x1xf32>
    tpu.vector_store %arg3[%swap3A_13, %swap3A_14], %reshape3A {strides = array<i32>} : memref<1x1xf32, #tpu.memory_space<vmem>>, vector<1x1xf32>,
    return
  }
}

</mosaic_0001>

<sc_bundles>
// kernel: kernel.5.cloned.1.call-start
scs
__scs_entry_jumppad:
0x0: {  	(pc) =	sbr.rel $0x88, $3  }
0x1: {  	(tag) =	ssettag $0x0;
	lr =	simm.s32 $0x1  }
0x2: {  	[smem:$0x3F9F] =	sst lr;
	_ =	strace $0xD0000000  }
0x3: {  	_ = 	snop  }
0x4: {  	_ = 	snop  }
0x5: {  	_ = 	snop  }
0x6: {  	_ = 	snop  }
0x7: {  	_ = 	snop  }
__scs_overlays_trampoline_lowered:
0x8: {  	[smem:$0x3FAE] =	sst s0  }
0x9: {  	[smem:$0x3FAF] =	sst s1  }
0xa: {  	[smem:$0x3FB0] =	sst s2  }
0xb: {  	[smem:$0x3FB1] =	sst s3  }
0xc: {  	[smem:$0x3FB2] =	sst s4  }
0xd: {  	[smem:$0x3FB3] =	sst s5  }
0xe: {  	[smem:$0x3FB4] =	sst s6  }
0xf: {  	[smem:$0x3FB5] =	sst s7  }
0x10: {  	[smem:$0x3FB6] =	sst s8  }
0x11: {  	[smem:$0x3FB7] =	sst s9;
	s0 =	simm.s32 @!p0 $0x0  }
0x12: {  	s1 =	sld [smem:$0x3F9D];
	s0 =	simm.s32 @p0 $0x1  }
0x13: {  	[smem:$0x3FB8] =	sst s0;
	s0 =	simm.s32 @!p1 $0x0  }
0x14: {  	s2 =	sld [smem:$0x3F9C];
	s0 =	simm.s32 @p1 $0x1  }
0x15: {  	[smem:$0x3FB9] =	sst s0;
	s0 =	simm.s32 @!p2 $0x0  }
0x16: {  	s3 =	sld [smem:$0x3FDB];
	s0 =	simm.s32 @p2 $0x1  }
0x17: {  	s4 =	simm.s32 $0x1BF5;
	[smem:$0x3FBB] =	sst s0  }
0x18: {  	s0 =	sld [smem:$0x3F9E];
	_ =	swait.ge [sflag:s4], $0x0  }
0x19: {  	s7 =	sld [smem:$0x3F9F]  }
0x1a: {  	s8 =	sadd.s32 $0xFFFFE003, lr  }
0x1b: {  	s9 =	sadd.s32 $0xFFFFFEF7, lr;
	s5 =	simm.s32 $0xFFFFFFFF;
	p2 =	slt.u32 s8, $0xFFFFF086  }
0x1c: {  	p1 =	slt.u32 s9, $0xF7A;
	s5 =	simm.s32 @!p2 $0x0  }
0x1d: {  	s5 =	simm.s32 @p1 $0x1;
	p0 =	seq.s32 s7, s2  }
0x1e: {  	s7 =	smul.u32 @!p0 $0xF7A, s2;
	p2 =	seq.s32 @!p0 s5, $0x0  }
0x1f: {  	s9 =	smul.u32 $0xF7A, s1;
	s8 =	simm.s32 @!p0 $0x1BF5;
	p2 =	por !p2, p0  }
0x20: {  	[sflag:s8] =	ssyncset.s32 @!p0 $0xFFFFF086;
	s6 =	sadd.s32 @!p0 s3, s7;
	s7 =	simm.s32 @!p0 $0x108  }
0x21: {  	s3 =	sadd.s32 s3, s9;
	s6 =	sadd.s32 @!p0 $0x88, s6;
	s7 =	simm.s32 @p2 $0x1082  }
0x22: {  	[simem:s7], [sflag:s8] =	dma.local @!p0 [hbm:s6], $0xF7A  }
0x23: {  	s9 =	sor.u32 $0xD0000000, s2;
	s6 =	simm.s32 $0x108;
	_ =	swait.ge @!p0 [sflag:s8], $0x0  }
0x24: {  	s3 =	sadd.s32 $0x88, s3;
	s6 =	simm.s32 @!p1 $0x1082;
	[sflag:s4] =	ssyncset.s32 $0xFFFFF086  }
0x25: {  	[simem:s6], [sflag:s4] =	dma.local [hbm:s3], $0xF7A  }
0x26: {  	[smem:$0x3F9F] =	sst s1;
	(tag) =	ssettag s2;
	_ =	strace s9  }
0x27: {  	s1 =	sld [smem:$0x3FAF]  }
0x28: {  	s2 =	sld [smem:$0x3FB0]  }
0x29: {  	s4 =	sld [smem:$0x3FB2]  }
0x2a: {  	p0 =	seq.s32 s5, $0x0;
	s5 =	sld [smem:$0x3FB3]  }
0x2b: {  	s6 =	sld [smem:$0x3FB4]  }
0x2c: {  	s7 =	sld [smem:$0x3FB5]  }
0x2d: {  	s3 =	simm.s32 $0x108;
	s8 =	sld [smem:$0x3FB6]  }
0x2e: {  	s3 =	simm.s32 @!p0 $0x1082;
	s9 =	sld [smem:$0x3FB7]  }
0x2f: {  	lr =	sadd.s32 s0, s3;
	s0 =	sld [smem:$0x3FAE]  }
0x30: {  	s3 =	sld [smem:$0x3FB1]  }
0x31: {  	[smem:$0x3FBA] =	sst s10  }
0x32: {  	s10 =	sld [smem:$0x3FB8];
	_ =	sdelay $0x3  }
0x33: {  	p0 =	seq.s32 s10, $0x1;
	s10 =	sld [smem:$0x3FBA];
	_ =	sdelay $0x3  }
0x34: {  	[smem:$0x3FBA] =	sst s10  }
0x35: {  	s10 =	sld [smem:$0x3FB9];
	_ =	sdelay $0x3  }
0x36: {  	p1 =	seq.s32 s10, $0x1;
	s10 =	sld [smem:$0x3FBA];
	_ =	sdelay $0x3  }
0x37: {  	[smem:$0x3FBA] =	sst s10  }
0x38: {  	s10 =	sld [smem:$0x3FBB]  }
0x39: {  	_ = 	snop;
	(pc) =	sbr.ind lr, $3  }
0x3a: {  	_ = 	snop  }
0x3b: {  	_ = 	snop  }
0x3c: {  	p2 =	seq.s32 s10, $0x1;
	s10 =	sld [smem:$0x3FBA]  }
0x3d: {  	_ =	shalt  }
0x3e: {  	_ =	shalt  }
0x3f: {  	_ =	shalt  }
0x40: {  	_ =	shalt  }
0x41: {  	_ =	shalt  }
0x42: {  	_ =	shalt  }
0x43: {  	_ =	shalt  }
0x44: {  	_ =	shalt  }
0x45: {  	_ =	shalt  }
0x46: {  	_ =	shalt  }
0x47: {  	_ =	shalt  }
0x48: {  	_ =	shalt  }
0x49: {  	_ =	shalt  }
0x4a: {  	_ =	shalt  }
0x4b: {  	_ =	shalt  }
0x4c: {  	_ =	shalt  }
0x4d: {  	_ =	shalt  }
0x4e: {  	_ =	shalt  }
0x4f: {  	_ =	shalt  }
0x50: {  	_ =	shalt  }
0x51: {  	_ =	shalt  }
0x52: {  	_ =	shalt  }
0x53: {  	_ =	shalt  }
0x54: {  	_ =	shalt  }
0x55: {  	_ =	shalt  }
0x56: {  	_ =	shalt  }
0x57: {  	_ =	shalt  }
0x58: {  	_ =	shalt  }
0x59: {  	_ =	shalt  }
0x5a: {  	_ =	shalt  }
0x5b: {  	_ =	shalt  }
0x5c: {  	_ =	shalt  }
0x5d: {  	_ =	shalt  }
0x5e: {  	_ =	shalt  }
0x5f: {  	_ =	shalt  }
0x60: {  	_ =	shalt  }
0x61: {  	_ =	shalt  }
0x62: {  	_ =	shalt  }
0x63: {  	_ =	shalt  }
0x64: {  	_ =	shalt  }
0x65: {  	_ =	shalt  }
0x66: {  	_ =	shalt  }
0x67: {  	_ =	shalt  }
0x68: {  	_ =	shalt  }
0x69: {  	_ =	shalt  }
0x6a: {  	_ =	shalt  }
0x6b: {  	_ =	shalt  }
0x6c: {  	_ =	shalt  }
0x6d: {  	_ =	shalt  }
0x6e: {  	_ =	shalt  }
0x6f: {  	_ =	shalt  }
0x70: {  	_ =	shalt  }
0x71: {  	_ =	shalt  }
0x72: {  	_ =	shalt  }
0x73: {  	_ =	shalt  }
0x74: {  	_ =	shalt  }
0x75: {  	_ =	shalt  }
0x76: {  	_ =	shalt  }
0x77: {  	_ =	shalt  }
0x78: {  	_ =	shalt  }
0x79: {  	_ =	shalt  }
0x7a: {  	_ =	shalt  }
0x7b: {  	_ =	shalt  }
0x7c: {  	_ =	shalt  }
0x7d: {  	_ =	shalt  }
0x7e: {  	_ =	shalt  }
0x7f: {  	_ =	shalt  }
0x80: {  	_ =	shalt  }
0x81: {  	_ =	shalt  }
0x82: {  	_ =	shalt  }
0x83: {  	_ =	shalt  }
0x84: {  	_ =	shalt  }
0x85: {  	_ =	shalt  }
0x86: {  	_ =	shalt  }
0x87: {  	_ =	shalt  }
.Lfunc_end0:
.L_simem_size_0:
called_computation_lowered:
.L_overlay_start_0:
0x88: {  	s2 =	sld [smem:$0x3FD9]  }
0x89: {  	s3 =	sld [smem:$0x3FFE];
	_ =	sdelay $0x1  }
0x8a: {  	s1 =	srdreg.scid  }
0x8b: {  	s0 =	sand.u32 $0x1, s1  }
0x8c: {  	s14 =	sshll.u32 s0, $0xA;
	s2 =	sadd.s32 s3, s2  }
0x8d: {  	s2 =	sadd.s32 s2, s14  }
0x8e: {  	[smem:$0x3FC6] =	sst s2  }
0x8f: {  	_ = 	snop  }
0x90: {  	s2 =	sld [smem:$0x3FD0];
	_ =	sdelay $0x2  }
0x91: {  	s15 =	simm.s32 $0xA;
	s4 =	simm.s32 $0x10  }
0x92: {  	[smem:s4], [sflag:s15] =	dma.local [hbm:s2], $0x1  }
0x93: {  	_ =	swait.eq [sflag:s15], $0x1  }
0x94: {  	[sflag:s15] =	ssyncset.done $0x0  }
0x95: {  	[sflag:s15] =	ssyncadd.s32 $0xFFFFFFFF  }
0x96: {  	s16 =	sld [smem:$0x11];
	(tm) =	ssettm $0x1  }
0x97: {  	s17 =	sld [smem:$0x3FFB];
	_ =	sdelay $0x3  }
0x98: {  	_ =	strace s17  }
0x99: {  	s3 =	sld [smem:$0x3FFC];
	_ =	sdelay $0x3  }
0x9a: {  	_ =	strace s3  }
0x9b: {  	s3 =	sld [smem:$0x3FFD];
	_ =	sdelay $0x3  }
0x9c: {  	_ =	strace s3  }
0x9d: {  	_ =	strace $0x8FFFFFFF  }
0x9e: {  	s18 =	sld [smem:$0x3FDB];
	_ =	sdelay $0x1  }
0x9f: {  	s19 =	simm.s32 $_scs_section_size  }
0xa0: {  	s5 =	simm.s32 $_size__tile_overlayer_lowered;
	s6 =	simm.s32 $_tile_overlayer_lowered  }
0xa1: {  	s22 =	simm.s32 $0x1BFF;
	s21 =	sshll.u32 s6, $0x1;
	s3 =	sadd.s32 s19, s18  }
0xa2: {  	s7 =	simm.s32 $0x0;
	s20 =	sshll.u32 s5, $0x1;
	s5 =	sadd.s32 s21, s3  }
0xa3: {  	[timem:s7], [sflag:s22] =	dma.local [hbm:s5], s20  }
0xa4: {  	_ =	swait.ge [sflag:s22], s20  }
0xa5: {  	s4 =	ssub.s32 $0x0, s20;
	[sflag:s22] =	ssyncset.done $0x0  }
0xa6: {  	[sflag:s22] =	ssyncadd.s32 s4;
	_ =	sdelay $0x1  }
0xa7: {  	s23 =	simm.s32 $0x1B8B  }
0xa8: {  	_ =	swait.ge [sflag:s23], $0x1  }
0xa9: {  	[sflag:s23] =	ssyncset.done $0x0  }
0xaa: {  	s25 =	simm.s32 $0x1B8E;
	s24 =	sld [smem:$0x3FFE];
	[sflag:s23] =	ssyncadd.s32 $0xFFFFFFFF  }
0xab: {  	s26 =	simm.s32 $execute0_lowered;
	[smem:$0x3FD2] =	sst s25  }
0xac: {  	s5 =	sshll.u32 s26, $0x1;
	_ =	strace $0x80000046;
	[dreg:$0x1] =	wrdreg $0xFFFFFFFF  }
0xad: {  	s28 =	simm.s32 $_size_execute0_lowered;
	s3 =	sadd.s32 s3, s5;
	[dreg:$0x0] =	wrdreg $0x0  }
0xae: {  	s5 =	sshll.u32 s28, $0x1;
	[dreg:$0x2] =	wrdreg s3  }
0xaf: {  	[dreg:$0x3] =	wrdreg s5  }
0xb0: {  	[dreg:$0x4] =	wrdreg $0xC0  }
0xb1: {  	_ =	task [dreg:s7], $0x5FFFF  }
0xb2: {  	[dreg:$0x1] =	wrdreg $0xFFFFFFFF  }
0xb3: {  	[dreg:$0x0] =	wrdreg $0x60  }
0xb4: {  	[dreg:$0x2] =	wrdreg s16  }
0xb5: {  	[dreg:$0x3] =	wrdreg s24  }
0xb6: {  	[dreg:$0x4] =	wrdreg $0x9  }
0xb7: {  	_ =	task.clear_ibuf [dreg:s7], $0x5FFFF;
	_ =	strace $0x90000046  }
0xb8: {  	s29 =	simm.s32 $0x9;
	_ =	strace $0x80000048  }
0xb9: {  	_ =	swait.ge [sflag:s29], $0x1  }
0xba: {  	[sflag:s29] =	ssyncadd.s32 $0xFFFFFFFF  }
0xbb: {  	_ =	strace $0x90000048  }
0xbc: {  	_ =	sfence  }
0xbd: {  	s30 =	sld [smem:$0x0];
	_ =	sdelay $0x2  }
0xbe: {  	s31 =	sshll.u32 s1, $0xD;
	s1 =	sshrl.u32 s1, $0x2  }
0xbf: {  	s3 =	sand.u32 $0x4000, s31;
	s1 =	sadd.s32 s1, s30  }
0xc0: {  	s0 =	sor.u32 s3, s0;
	s1 =	sshll.u32 s1, $0x11  }
0xc1: {  	s0 =	sor.u32 s1, s0  }
0xc2: {  	s0 =	sadd.s32 $0x8F2B, s0  }
0xc3: {  	[sflag:s0] =	ssyncadd.remote.s32 $0x1  }
0xc4: {  	_ =	sfence.sel $0xFFFF  }
0xc5: {  	[dreg:$0x0] =	wrdreg $0xFFFFFFFF;
	(pc) =	sbr.abs _section_cstart, $3  }
0xc6: {  	[dreg:$0x1] =	wrdreg $0xFFFFFFFF  }
0xc7: {  	_ =	task.clear_ibuf [dreg:s7], $0x2FFFF;
	_ =	strace $0x9FFFFFFF  }
0xc8: {  	(tm) =	ssettm $0x7FFFFFFF  }
0xc9: {  	_ =	shalt  }
tec
execute0_lowered:
.L_overlay_start_1:
0x0: {  	(tag) =	ssettag $0x1  }
0x1: {  	s1 =	srdreg.scid  }
0x2: {  	s0 =	stileid.u32;
	s6 =	sand.u32 $0x1, s1  }
0x3: {  	s2 =	rddreg [dreg:$0x0];
	s30 =	sshll.u32 s0, $0x9;
	s3 =	sshll.u32 s6, $0x8  }
0x4: {  	s8 =	rddreg [dreg:$0x1];
	s7 =	simm.s32 $0x1;
	s9 =	sor.u32 s3, s30  }
0x5: {  	s1 =	rddreg [dreg:$0x2];
	s3 =	simm.s32 $0x0;
	s4 =	sshrl.u32 s9, $0x3  }
0x6: {  	s10 =	ssub.s32 $0x2, s6;
	[smem:$0x7FF] =	sst s3;
	s4 =	sadd.s32 s4, s8  }
0x7: {  	_ =	strace $0x80000047;
	s5 =	sadd.s32 $0x600, s4;
	s4 =	simm.s32 $0x2  }
0x8: {  	[tilespmem:s3], [sflag:$0x2] =	stream.linear.gather [hbm4b:s5+s3], $0x100, $0x38;
	[tilespmem:$0x2100] =	vst v63  }
0x9: {  	s6 =	simm.s32 $0x100;
	s11 =	sshrl.u32 s10, $0x1;
	_ =	swait.ge [sflag:s4], $0x100  }
0xa: {  	s9 =	sshll.u32 s9, $0x2;
	s31 =	ssub.s32 s10, s11;
	[sflag:s4] =	ssyncset.done $0x0  }
0xb: {  	s8 =	sadd.s32 s9, s8;
	s9 =	smax.u32 s31, $0x1;
	[sflag:s4] =	ssyncadd.s32 $0xFFFFFF00  }
0xc: {  	[tilespmem:s6], [sflag:$0x1] =	stream.indirect.gather [hbm4b:s2+s6], $0x20, s3, s6, $0xb8;
	[tilespmem:$0x2100] =	vst v63  }
0xd: {  	p0 =	sne.s32 s9, $0x1;
	_ =	swait.ge [sflag:s7], $0x2000  }
.Ltmp0:
0xe: {  	[sflag:s7] =	ssyncset.done $0x0;
	(pc) =	sbr.rel @!p0 .LBB2_2-.Ltmp0, $4  }
0xf: {  	s8 =	sadd.s32 $0xA00, s8;
	[sflag:s7] =	ssyncadd.s32 $0xFFFFE000  }
0x10: {  	[hbm4b:s8+s3] =	stream.linear.scatter [tilespmem:s6], [sflag:$0x2], $0x2000, $0x38;
	[tilespmem:$0x2100] =	vst v63  }
0x11: {  	_ =	swait.ge [sflag:s4], $0x2000  }
0x12: {  	s9 =	sadd.s32 $0xFFFFFFFF, s9;
	[sflag:s4] =	ssyncset.done $0x0  }
.LBB2_1:
0x13: {  	p0 =	sne.s32 s9, $0x1;
	s9 =	sadd.s32 $0xFFFFFFFF, s9;
	[sflag:s4] =	ssyncadd.s32 $0xFFFFE000  }
0x14: {  	[tilespmem:s3], [sflag:$0x2] =	stream.linear.gather [hbm4b:s5+s3], $0x100, $0x38;
	[tilespmem:$0x2100] =	vst v63  }
0x15: {  	_ =	swait.ge [sflag:s4], $0x100  }
0x16: {  	[sflag:s4] =	ssyncset.done $0x0  }
0x17: {  	[sflag:s4] =	ssyncadd.s32 $0xFFFFFF00  }
0x18: {  	[tilespmem:s6], [sflag:$0x1] =	stream.indirect.gather [hbm4b:s2+s6], $0x20, s3, s6, $0xb8;
	[tilespmem:$0x2100] =	vst v63  }
0x19: {  	_ =	swait.ge [sflag:s7], $0x2000  }
.Ltmp1:
0x1a: {  	[sflag:s7] =	ssyncset.done $0x0;
	(pc) =	sbr.rel @p0 .LBB2_1-.Ltmp1, $4  }
0x1b: {  	[sflag:s7] =	ssyncadd.s32 $0xFFFFE000  }
0x1c: {  	[hbm4b:s8+s3] =	stream.linear.scatter [tilespmem:s6], [sflag:$0x2], $0x2000, $0x38;
	[tilespmem:$0x2100] =	vst v63  }
0x1d: {  	_ =	swait.ge [sflag:s4], $0x2000  }
0x1e: {  	[sflag:s4] =	ssyncset.done $0x0  }
.LBB2_2:
0x1f: {  	[sflag:s4] =	ssyncadd.s32 $0xFFFFE000  }
0x20: {  	_ =	sfence.sel $0x180000  }
0x21: {  	[bflag:$0x0] =	sbarrier.arrive $0xFFFF  }
0x22: {  	p0 =	sne.s32 s0, $0x0;
	_ =	strace $0x90000047  }
0x23: {  	s0 =	sadd.s32 @!p0 $0x100000, s1;
	[bflag:$0x2] =	sbarrier.arrive $0xFFFF  }
0x24: {  	[sflag:s0] =	ssyncadd.tile.s32 @!p0 $0x1;
	_ =	shalt  }
.Lfunc_end2:
_tile_overlayer_lowered:
.L_overlay_start_2:
0x25: {  	(tag) =	ssettag $0x2  }
0x26: {  	s0 =	rddreg [dreg:$0x0];
	s2 =	stileid.u32  }
0x27: {  	s1 =	rddreg [dreg:$0x1];
	p0 =	sne.s32 s2, $0x0  }
0x28: {  	s3 =	rddreg [dreg:$0x2];
	[bflag:$0x3] =	sbarrier.arrive $0xFFFF;
	s2 =	simm.s32 @!p0 $0x1C02  }
0x29: {  	[timem:s3], [sflag:s2] =	dma.local @!p0 [hbm:s0], s1  }
0x2a: {  	s0 =	simm.s32 @!p0 $0x2  }
0x2b: {  	_ =	swait.ge @!p0 [sflag:s0], s1  }
0x2c: {  	s1 =	ssub.s32 @!p0 $0x0, s1;
	[sflag:s0] =	ssyncset.done @!p0 $0x0  }
0x2d: {  	[sflag:s0] =	ssyncadd.s32 @!p0 s1  }
0x2e: {  	[bflag:$0x3] =	sbarrier.arrive $0xFFFF  }
0x2f: {  	_ =	shalt  }

</sc_bundles>
